<compile_context>
chip_gen: v7x
topology: tpu7x:2x2x1
jax: 0.10.2.dev20260603
libtpu: 0.0.44.dev20260713+nightly
codegen_flags: <defaults>
</compile_context>

<pallas_src>
import jax
import jax.numpy as jnp
from jax import lax
from jax.experimental import pallas as pl
from jax.experimental.pallas import tpu as pltpu
from jax.experimental.pallas import tpu_sc as plsc

N = 10000
E = 160000
D = 256
H = 128
NP = 10240
EP = 163840
NTILES = 32
CHUNKS = 40
CW = 128
AGG_CHUNKS = 128
ACW = 80
SLABS = 8
SLAB_CHUNKS = AGG_CHUNKS // SLABS
RING = 3
STRIPE = NP // 16

_mesh = plsc.VectorSubcoreMesh(core_axis_name="c", subcore_axis_name="s")


def _deg_kernel(dst3, degp, idx_v, ones_v, buf_v, deg_sh, sem):
    c = lax.axis_index("c")
    s = lax.axis_index("s")
    w = s * 2 + c

    @pl.loop(0, STRIPE, step=16)
    def _(i):
        buf_v[pl.ds(i, 16)] = jnp.zeros((16,), jnp.float32)

    @pl.loop(0, CW, step=16)
    def _(i):
        ones_v[pl.ds(i, 16)] = jnp.ones((16,), jnp.float32)

    pltpu.sync_copy(buf_v, deg_sh.at[pl.ds(s * STRIPE, STRIPE)])
    pltpu.sync_copy(dst3.at[w], idx_v)
    plsc.subcore_barrier()

    @pl.loop(0, CHUNKS)
    def _(j):
        pltpu.sync_copy(ones_v, deg_sh.at[idx_v.at[j]], add=True)

    plsc.subcore_barrier()
    pltpu.sync_copy(deg_sh.at[pl.ds(s * STRIPE, STRIPE)],
                    degp.at[c, pl.ds(s * STRIPE, STRIPE)])


@jax.jit
def _deg_call(dst3):
    k = pl.kernel(
        _deg_kernel,
        out_type=jax.ShapeDtypeStruct((2, NP), jnp.float32),
        mesh=_mesh,
        scratch_types=[
            pltpu.VMEM((CHUNKS, CW), jnp.int32),
            pltpu.VMEM((CW,), jnp.float32),
            pltpu.VMEM((STRIPE,), jnp.float32),
            pltpu.VMEM_SHARED((NP,), jnp.float32),
            pltpu.SemaphoreType.DMA,
        ],
    )
    return k(dst3)


def _agg_kernel(h0, h1, src3, dst3, agg0, agg1,
                srcv, dstv, rows, zbuf, agg_sh, sem, sem2):
    c = lax.axis_index("c")
    s = lax.axis_index("s")

    @pl.loop(0, 8)
    def _(r):
        @pl.loop(0, H, step=16)
        def _(l2):
            zbuf[r, pl.ds(l2, 16)] = jnp.zeros((16,), jnp.float32)

    @pl.loop(0, STRIPE, step=8)
    def _(r):
        pltpu.sync_copy(zbuf, agg_sh.at[pl.ds(s * STRIPE + r, 8)])

    plsc.subcore_barrier()

    def run(h_half, out_half):
        @pl.loop(0, SLABS)
        def _(t):
            pltpu.sync_copy(src3.at[s, pl.ds(t * SLAB_CHUNKS, SLAB_CHUNKS)],
                            srcv)
            pltpu.sync_copy(dst3.at[s, pl.ds(t * SLAB_CHUNKS, SLAB_CHUNKS)],
                            dstv)

            @pl.loop(0, SLAB_CHUNKS + 1)
            def _(j):
                @pl.when(j < SLAB_CHUNKS)
                def _():
                    @pl.when(j >= RING)
                    def _():
                        pltpu.make_async_copy(rows.at[0],
                                              agg_sh.at[pl.ds(0, ACW)],
                                              sem2).wait()

                    pltpu.async_copy(h_half.at[srcv.at[j]],
                                     rows.at[lax.rem(j, RING)], sem)

                @pl.when(j > 0)
                def _():
                    pltpu.make_async_copy(h_half.at[pl.ds(0, ACW)],
                                          rows.at[0], sem).wait()
                    pltpu.async_copy(rows.at[lax.rem(j + RING - 1, RING)],
                                     agg_sh.at[dstv.at[j - 1]], sem2,
                                     add=True)

            @pl.loop(0, RING)
            def _(d):
                pltpu.make_async_copy(rows.at[0], agg_sh.at[pl.ds(0, ACW)],
                                      sem2).wait()

        plsc.subcore_barrier()
        pltpu.sync_copy(agg_sh.at[pl.ds(s * STRIPE, STRIPE)],
                        out_half.at[pl.ds(s * STRIPE, STRIPE)])

    @pl.when(c == 0)
    def _():
        run(h0, agg0)

    @pl.when(c == 1)
    def _():
        run(h1, agg1)


@jax.jit
def _agg_call(h0, h1, src3, dst3):
    k = pl.kernel(
        _agg_kernel,
        out_type=(jax.ShapeDtypeStruct((NP, H), jnp.float32),
                  jax.ShapeDtypeStruct((NP, H), jnp.float32)),
        mesh=_mesh,
        scratch_types=[
            pltpu.VMEM((SLAB_CHUNKS, ACW), jnp.int32),
            pltpu.VMEM((SLAB_CHUNKS, ACW), jnp.int32),
            pltpu.VMEM((RING, ACW, H), jnp.float32),
            pltpu.VMEM((8, H), jnp.float32),
            pltpu.VMEM_SHARED((NP, H), jnp.float32),
            pltpu.SemaphoreType.DMA,
            pltpu.SemaphoreType.DMA,
        ],
    )
    return k(h0, h1, src3, dst3)


def _norm_kernel(deg_ref, feat_ref, h0_ref, h1_ref, norm_ref):
    deg = deg_ref[...]
    norm = jnp.where(deg > 0.0,
                     lax.rsqrt(jnp.where(deg > 0.0, deg, 1.0)), 0.0)
    h = feat_ref[...] * norm
    h0_ref[...] = h[:, :H]
    h1_ref[...] = h[:, H:]
    norm_ref[...] = norm


@jax.jit
def _norm_call(deg_col, feat):
    blk = 1000
    return pl.pallas_call(
        _norm_kernel,
        grid=(N // blk,),
        in_specs=[
            pl.BlockSpec((blk, 1), lambda i: (i, 0)),
            pl.BlockSpec((blk, D), lambda i: (i, 0)),
        ],
        out_specs=[
            pl.BlockSpec((blk, H), lambda i: (i, 0)),
            pl.BlockSpec((blk, H), lambda i: (i, 0)),
            pl.BlockSpec((blk, 1), lambda i: (i, 0)),
        ],
        out_shape=[
            jax.ShapeDtypeStruct((N, H), jnp.float32),
            jax.ShapeDtypeStruct((N, H), jnp.float32),
            jax.ShapeDtypeStruct((N, 1), jnp.float32),
        ],
    )(deg_col, feat)


def _out_kernel(a0_ref, a1_ref, n_ref, w0_ref, w1_ref, b_ref, o_ref):
    r = jnp.dot(a0_ref[...], w0_ref[...],
                preferred_element_type=jnp.float32,
                precision=lax.Precision.HIGHEST)
    r = r + jnp.dot(a1_ref[...], w1_ref[...],
                    preferred_element_type=jnp.float32,
                    precision=lax.Precision.HIGHEST)
    o_ref[...] = r * n_ref[...] + b_ref[...]


@jax.jit
def _out_call(agg0, agg1, normc, w0, w1, bias2):
    blk = 1000
    return pl.pallas_call(
        _out_kernel,
        grid=(N // blk,),
        in_specs=[
            pl.BlockSpec((blk, H), lambda i: (i, 0)),
            pl.BlockSpec((blk, H), lambda i: (i, 0)),
            pl.BlockSpec((blk, 1), lambda i: (i, 0)),
            pl.BlockSpec((H, D), lambda i: (0, 0)),
            pl.BlockSpec((H, D), lambda i: (0, 0)),
            pl.BlockSpec((1, D), lambda i: (0, 0)),
        ],
        out_specs=pl.BlockSpec((blk, D), lambda i: (i, 0)),
        out_shape=jax.ShapeDtypeStruct((N, D), jnp.float32),
    )(agg0, agg1, normc, w0, w1, bias2)


def kernel(feat, edge_index, weight, bias):
    src = edge_index[0]
    dst = edge_index[1]
    padlen = EP - E
    src_p = jnp.concatenate([src, jnp.zeros((padlen,), jnp.int32)])
    dst_p = jnp.concatenate([dst, jnp.full((padlen,), NP - 1, jnp.int32)])
    dst3 = dst_p.reshape(NTILES, CHUNKS, CW)
    srcA = src_p.reshape(16, AGG_CHUNKS, ACW)
    dstA = dst_p.reshape(16, AGG_CHUNKS, ACW)

    degp = _deg_call(dst3)
    deg_col = (degp[0] + degp[1])[:N].reshape(N, 1)
    h0, h1, normc = _norm_call(deg_col, feat)
    agg0, agg1 = _agg_call(h0, h1, srcA, dstA)
    return _out_call(agg0, agg1, normc,
                     weight[:H], weight[H:], bias.reshape(1, D))

# --- scband reference (transcript-rebuilt; emitter-appended) ---
"""Pipeline reference for scband-graph-conv-26216480375290 (READ-ONLY COPY).

The authoritative reference and input builder live on the scoring server;
editing this copy changes nothing except your own understanding.
"""

import jax
import jax.numpy as jnp
import numpy as np

N = 10000
E = 160000
D_IN = 256
D_OUT = 256


def setup_inputs(seed: int = 0) -> dict:
    key = jax.random.key(seed)
    k1, k2, k3 = jax.random.split(key, 3)
    feat = jax.random.normal(k1, (N, D_IN), dtype=jnp.float32)
    edge_index = jax.random.randint(k2, (2, E), 0, N, dtype=jnp.int32)
    # Xavier/Glorot uniform init as in reset_parameters
    limit = float(np.sqrt(6.0 / (D_IN + D_OUT)))
    weight = jax.random.uniform(k3, (D_IN, D_OUT), minval=-limit, maxval=limit, dtype=jnp.float32)
    bias = jnp.zeros((D_OUT,), dtype=jnp.float32)
    return {"feat": feat, "edge_index": edge_index, "weight": weight, "bias": bias}


def reference(feat, edge_index, weight, bias):
    src = edge_index[0]
    dst = edge_index[1]
    # in-degree of each node (edges counted at their destination)
    deg = jax.ops.segment_sum(jnp.ones((E,), dtype=jnp.float32), dst, num_segments=N)
    # norm = deg^{-0.5}; guard zero in-degree nodes (DGL warns about these; we zero them out)
    safe_deg = jnp.where(deg > 0, deg, 1.0)
    norm = jnp.where(deg > 0, jax.lax.rsqrt(safe_deg), 0.0)[:, None]
    # pre-normalize source features
    h = feat * norm
    # in_feats == out_feats so the module takes the aggregate-then-matmul branch:
    # copy_src + sum reduce == scatter-add of h[src] into dst
    agg = jax.ops.segment_sum(h[src], dst, num_segments=N)
    rst = jnp.matmul(agg, weight)
    rst = rst * norm
    rst = rst + bias
    return rst

if __name__ == "__main__":
    import jax
    _d = setup_inputs()
    print(jax.jit(kernel)(*tuple(_d.values())))

</pallas_src>

<mosaic_0001>
#map = affine_map<(d0, d1) -> (0, 0, 0)>
#map1 = affine_map<(d0, d1) -> (0, 0)>
module attributes {stable_mosaic.version = 14 : i64} {
  func.func @_deg_kernel(%arg0: i32, %arg1: i32, %arg2: memref<32x40x128xi32, #tpu.memory_space<hbm>>, %arg3: memref<2x10240xf32, #tpu.memory_space<hbm>>, %arg4: memref<40x128xi32, #tpu.memory_space<vmem>>, %arg5: memref<128xf32, #tpu.memory_space<vmem>>, %arg6: memref<640xf32, #tpu.memory_space<vmem>>, %arg7: memref<10240xf32, #tpu.memory_space<vmem_shared>>, %arg8: memref<!tpu.dma_semaphore, #tpu.memory_space<semaphore_mem>>) attributes {dimension_semantics = [#tpu.dimension_semantics<core_parallel>, #tpu.dimension_semantics<subcore_parallel>], iteration_bounds = array<i64: 2, 16>, scalar_prefetch = 0 : i64, scratch_operands = 5 : i64, tpu.core_type = #tpu.core_type<sc_vector_subcore>, window_params = [{transform_indices = #map}, {transform_indices = #map1}]} {
    %mul3A = arith.constant 2 : i32
    %mul3A_0 = arith.muli %arg1, %mul3A : i32
    %add3A = arith.addi %mul3A_0, %arg0 : i32
    %scan3A = arith.constant 0 : i32
    %scan3A_1 = arith.constant 40 : i32
    %scan3A_2 = arith.addi %scan3A, %scan3A_1 : i32
    %scan3A_3 = arith.constant 1 : i32
    scf.for %scan3A_22 = %scan3A to %scan3A_2 step %scan3A_3  : i32 {
      %mul3A_23 = arith.constant 16 : i32
      %mul3A_24 = arith.muli %scan3A_22, %mul3A_23 : i32
      %add3A_25 = arith.constant 0 : i32
      %add3A_26 = arith.addi %add3A_25, %mul3A_24 : i32
      %broadcast_in_dim3A = arith.constant 0.000000e+00 : f32
      %broadcast_in_dim3A_27 = vector.broadcast %broadcast_in_dim3A : f32 to vector<16xf32>
      %swap3A = arith.index_cast %add3A_26 : i32 to index
      %swap3A_28 = tpu.vector_load %arg6[%swap3A] {strides = array<i32>} : memref<640xf32, #tpu.memory_space<vmem>>, vector<16xf32>,
      %swap3A_29 = vector.shape_cast %swap3A_28 : vector<16xf32> to vector<16xf32>
      %swap3A_30 = vector.shape_cast %broadcast_in_dim3A_27 : vector<16xf32> to vector<16xf32>
      tpu.vector_store %arg6[%swap3A], %swap3A_30 {strides = array<i32>} : memref<640xf32, #tpu.memory_space<vmem>>, vector<16xf32>,
    }
    %scan3A_4 = arith.constant 40 : i32
    %scan3A_5 = arith.constant 0 : i32
    %scan3A_6 = arith.constant 8 : i32
    %scan3A_7 = arith.addi %scan3A_5, %scan3A_6 : i32
    %scan3A_8 = arith.constant 1 : i32
    scf.for %scan3A_22 = %scan3A_5 to %scan3A_7 step %scan3A_8  : i32 {
      %mul3A_23 = arith.constant 16 : i32
      %mul3A_24 = arith.muli %scan3A_22, %mul3A_23 : i32
      %add3A_25 = arith.constant 0 : i32
      %add3A_26 = arith.addi %add3A_25, %mul3A_24 : i32
      %broadcast_in_dim3A = arith.constant 1.000000e+00 : f32
      %broadcast_in_dim3A_27 = vector.broadcast %broadcast_in_dim3A : f32 to vector<16xf32>
      %swap3A = arith.index_cast %add3A_26 : i32 to index
      %swap3A_28 = tpu.vector_load %arg5[%swap3A] {strides = array<i32>} : memref<128xf32, #tpu.memory_space<vmem>>, vector<16xf32>,
      %swap3A_29 = vector.shape_cast %swap3A_28 : vector<16xf32> to vector<16xf32>
      %swap3A_30 = vector.shape_cast %broadcast_in_dim3A_27 : vector<16xf32> to vector<16xf32>
      tpu.vector_store %arg5[%swap3A], %swap3A_30 {strides = array<i32>} : memref<128xf32, #tpu.memory_space<vmem>>, vector<16xf32>,
    }
    %scan3A_9 = arith.constant 8 : i32
    %mul3A_10 = arith.constant 640 : i32
    %mul3A_11 = arith.muli %arg1, %mul3A_10 : i32
    "tpu.region"() ({
      %run_scoped3A = tpu.sem_alloc : memref<!tpu.dma_semaphore, #tpu.memory_space<semaphore_mem>>
      %dma_start3A = tpu.memref_slice %arg7[%mul3A_11] : memref<10240xf32, #tpu.memory_space<vmem_shared>> -> memref<640xf32, #tpu.memory_space<vmem_shared>>
      %dma_start3A_22 = tpu.memref_slice %arg7[%mul3A_11] : memref<10240xf32, #tpu.memory_space<vmem_shared>> -> memref<640xf32, #tpu.memory_space<vmem_shared>>
      tpu.enqueue_dma source(%arg6 : memref<640xf32, #tpu.memory_space<vmem>>) target(%dma_start3A_22 : memref<640xf32, #tpu.memory_space<vmem_shared>>) target_semaphore(%run_scoped3A : memref<!tpu.dma_semaphore, #tpu.memory_space<semaphore_mem>>)
      %dma_wait3A = tpu.memref_slice %arg7[%mul3A_11] : memref<10240xf32, #tpu.memory_space<vmem_shared>> -> memref<640xf32, #tpu.memory_space<vmem_shared>>
      %dma_wait3A_23 = tpu.memref_slice %arg7[%mul3A_11] : memref<10240xf32, #tpu.memory_space<vmem_shared>> -> memref<640xf32, #tpu.memory_space<vmem_shared>>
      tpu.wait_dma2 semaphore(%run_scoped3A : memref<!tpu.dma_semaphore, #tpu.memory_space<semaphore_mem>>) src(%arg6 : memref<640xf32, #tpu.memory_space<vmem>>) dst(%dma_wait3A_23 : memref<640xf32, #tpu.memory_space<vmem_shared>>)
      tpu.yield
    }) : () -> ()
    "tpu.region"() ({
      %run_scoped3A = tpu.sem_alloc : memref<!tpu.dma_semaphore, #tpu.memory_space<semaphore_mem>>
      %dma_start3A = arith.constant 0 : i32
      %dma_start3A_22 = arith.constant 0 : i32
      %dma_start3A_23 = tpu.memref_slice %arg2[%add3A, %dma_start3A, %dma_start3A_22] : memref<32x40x128xi32, #tpu.memory_space<hbm>> -> memref<1x40x128xi32, #tpu.memory_space<hbm>>
      %dma_start3A_24 = tpu.memref_squeeze %dma_start3A_23 : memref<1x40x128xi32, #tpu.memory_space<hbm>> -> memref<40x128xi32, #tpu.memory_space<hbm>>
      %dma_start3A_25 = arith.constant 0 : i32
      %dma_start3A_26 = arith.constant 0 : i32
      %dma_start3A_27 = tpu.memref_slice %arg2[%add3A, %dma_start3A_25, %dma_start3A_26] : memref<32x40x128xi32, #tpu.memory_space<hbm>> -> memref<1x40x128xi32, #tpu.memory_space<hbm>>
      %dma_start3A_28 = tpu.memref_squeeze %dma_start3A_27 : memref<1x40x128xi32, #tpu.memory_space<hbm>> -> memref<40x128xi32, #tpu.memory_space<hbm>>
      tpu.enqueue_dma source(%dma_start3A_28 : memref<40x128xi32, #tpu.memory_space<hbm>>) target(%arg4 : memref<40x128xi32, #tpu.memory_space<vmem>>) target_semaphore(%run_scoped3A : memref<!tpu.dma_semaphore, #tpu.memory_space<semaphore_mem>>)
      %dma_wait3A = arith.constant 0 : i32
      %dma_wait3A_29 = arith.constant 0 : i32
      %dma_wait3A_30 = tpu.memref_slice %arg2[%add3A, %dma_wait3A, %dma_wait3A_29] : memref<32x40x128xi32, #tpu.memory_space<hbm>> -> memref<1x40x128xi32, #tpu.memory_space<hbm>>
      %dma_wait3A_31 = tpu.memref_squeeze %dma_wait3A_30 : memref<1x40x128xi32, #tpu.memory_space<hbm>> -> memref<40x128xi32, #tpu.memory_space<hbm>>
      %dma_wait3A_32 = arith.constant 0 : i32
      %dma_wait3A_33 = arith.constant 0 : i32
      %dma_wait3A_34 = tpu.memref_slice %arg2[%add3A, %dma_wait3A_32, %dma_wait3A_33] : memref<32x40x128xi32, #tpu.memory_space<hbm>> -> memref<1x40x128xi32, #tpu.memory_space<hbm>>
      %dma_wait3A_35 = tpu.memref_squeeze %dma_wait3A_34 : memref<1x40x128xi32, #tpu.memory_space<hbm>> -> memref<40x128xi32, #tpu.memory_space<hbm>>
      tpu.wait_dma2 semaphore(%run_scoped3A : memref<!tpu.dma_semaphore, #tpu.memory_space<semaphore_mem>>) src(%dma_wait3A_35 : memref<40x128xi32, #tpu.memory_space<hbm>>) dst(%arg4 : memref<40x128xi32, #tpu.memory_space<vmem>>)
      tpu.yield
    }) : () -> ()
    %barrier3A = arith.constant 0 : index
    tpu.barrier barrier_id(%barrier3A)
    %scan3A_12 = arith.constant 0 : i32
    %scan3A_13 = arith.constant 40 : i32
    %scan3A_14 = arith.addi %scan3A_12, %scan3A_13 : i32
    %scan3A_15 = arith.constant 1 : i32
    scf.for %scan3A_22 = %scan3A_12 to %scan3A_14 step %scan3A_15  : i32 {
      %mul3A_23 = arith.constant 1 : i32
      %mul3A_24 = arith.muli %scan3A_22, %mul3A_23 : i32
      %add3A_25 = arith.constant 0 : i32
      %add3A_26 = arith.addi %add3A_25, %mul3A_24 : i32
      "tpu.region"() ({
        %run_scoped3A = tpu.sem_alloc : memref<!tpu.dma_semaphore, #tpu.memory_space<semaphore_mem>>
        %dma_start3A = arith.constant 0 : i32
        %dma_start3A_27 = tpu.memref_slice %arg4[%add3A_26, %dma_start3A] : memref<40x128xi32, #tpu.memory_space<vmem>> -> memref<1x128xi32, #tpu.memory_space<vmem>>
        %dma_start3A_28 = tpu.memref_squeeze %dma_start3A_27 : memref<1x128xi32, #tpu.memory_space<vmem>> -> memref<128xi32, #tpu.memory_space<vmem>>
        %dma_start3A_29 = arith.constant 0 : i32
        %dma_start3A_30 = tpu.memref_slice %arg7[%dma_start3A_29] : memref<10240xf32, #tpu.memory_space<vmem_shared>> -> memref<10240xf32, #tpu.memory_space<vmem_shared>>
        tpu.enqueue_indirect_dma source(%arg5 : memref<128xf32, #tpu.memory_space<vmem>>) target(%dma_start3A_30 : memref<10240xf32, #tpu.memory_space<vmem_shared>>) offsets(%dma_start3A_28 : memref<128xi32, #tpu.memory_space<vmem>>) semaphore(%run_scoped3A : memref<!tpu.dma_semaphore, #tpu.memory_space<semaphore_mem>>) {add = true}
        %dma_wait3A = arith.constant 0 : i32
        %dma_wait3A_31 = tpu.memref_slice %arg4[%add3A_26, %dma_wait3A] : memref<40x128xi32, #tpu.memory_space<vmem>> -> memref<1x128xi32, #tpu.memory_space<vmem>>
        %dma_wait3A_32 = tpu.memref_squeeze %dma_wait3A_31 : memref<1x128xi32, #tpu.memory_space<vmem>> -> memref<128xi32, #tpu.memory_space<vmem>>
        %dma_wait3A_33 = arith.constant 0 : i32
        %dma_wait3A_34 = tpu.memref_slice %arg7[%dma_wait3A_33] : memref<10240xf32, #tpu.memory_space<vmem_shared>> -> memref<10240xf32, #tpu.memory_space<vmem_shared>>
        tpu.wait_indirect_dma semaphore(%run_scoped3A : memref<!tpu.dma_semaphore, #tpu.memory_space<semaphore_mem>>) src(%arg5 : memref<128xf32, #tpu.memory_space<vmem>>) dst(%dma_wait3A_34 : memref<10240xf32, #tpu.memory_space<vmem_shared>>)
        tpu.yield
      }) : () -> ()
    }
    %scan3A_16 = arith.constant 40 : i32
    %barrier3A_17 = arith.constant 0 : index
    tpu.barrier barrier_id(%barrier3A_17)
    %mul3A_18 = arith.constant 640 : i32
    %mul3A_19 = arith.muli %arg1, %mul3A_18 : i32
    %mul3A_20 = arith.constant 640 : i32
    %mul3A_21 = arith.muli %arg1, %mul3A_20 : i32
    "tpu.region"() ({
      %run_scoped3A = tpu.sem_alloc : memref<!tpu.dma_semaphore, #tpu.memory_space<semaphore_mem>>
      %dma_start3A = tpu.memref_slice %arg3[%arg0, %mul3A_21] : memref<2x10240xf32, #tpu.memory_space<hbm>> -> memref<1x640xf32, #tpu.memory_space<hbm>>
      %dma_start3A_22 = tpu.memref_squeeze %dma_start3A : memref<1x640xf32, #tpu.memory_space<hbm>> -> memref<640xf32, #tpu.memory_space<hbm>>
      %dma_start3A_23 = tpu.memref_slice %arg7[%mul3A_19] : memref<10240xf32, #tpu.memory_space<vmem_shared>> -> memref<640xf32, #tpu.memory_space<vmem_shared>>
      tpu.enqueue_dma source(%dma_start3A_23 : memref<640xf32, #tpu.memory_space<vmem_shared>>) target(%dma_start3A_22 : memref<640xf32, #tpu.memory_space<hbm>>) target_semaphore(%run_scoped3A : memref<!tpu.dma_semaphore, #tpu.memory_space<semaphore_mem>>)
      %dma_wait3A = tpu.memref_slice %arg3[%arg0, %mul3A_21] : memref<2x10240xf32, #tpu.memory_space<hbm>> -> memref<1x640xf32, #tpu.memory_space<hbm>>
      %dma_wait3A_24 = tpu.memref_squeeze %dma_wait3A : memref<1x640xf32, #tpu.memory_space<hbm>> -> memref<640xf32, #tpu.memory_space<hbm>>
      %dma_wait3A_25 = tpu.memref_slice %arg7[%mul3A_19] : memref<10240xf32, #tpu.memory_space<vmem_shared>> -> memref<640xf32, #tpu.memory_space<vmem_shared>>
      tpu.wait_dma2 semaphore(%run_scoped3A : memref<!tpu.dma_semaphore, #tpu.memory_space<semaphore_mem>>) src(%dma_wait3A_25 : memref<640xf32, #tpu.memory_space<vmem_shared>>) dst(%dma_wait3A_24 : memref<640xf32, #tpu.memory_space<hbm>>)
      tpu.yield
    }) : () -> ()
    return
  }
}

</mosaic_0001>

<sc_bundles>
// kernel: _deg_call.3.cloned.1.call-start
scs
__scs_entry_jumppad:
0x0: {  	(pc) =	sbr.rel $0x88, $3  }
0x1: {  	(tag) =	ssettag $0x0;
	lr =	simm.s32 $0x1  }
0x2: {  	[smem:$0x3FA0] =	sst lr;
	_ =	strace $0xD0000000  }
0x3: {  	_ = 	snop  }
0x4: {  	_ = 	snop  }
0x5: {  	_ = 	snop  }
0x6: {  	_ = 	snop  }
0x7: {  	_ = 	snop  }
__scs_overlays_trampoline_lowered:
0x8: {  	[smem:$0x3FAF] =	sst s0  }
0x9: {  	[smem:$0x3FB0] =	sst s1  }
0xa: {  	[smem:$0x3FB1] =	sst s2  }
0xb: {  	[smem:$0x3FB2] =	sst s3  }
0xc: {  	[smem:$0x3FB3] =	sst s4  }
0xd: {  	[smem:$0x3FB4] =	sst s5  }
0xe: {  	[smem:$0x3FB5] =	sst s6  }
0xf: {  	[smem:$0x3FB6] =	sst s7  }
0x10: {  	[smem:$0x3FB7] =	sst s8  }
0x11: {  	[smem:$0x3FB8] =	sst s9;
	s0 =	simm.s32 @!p0 $0x0  }
0x12: {  	s1 =	sld [smem:$0x3F9E];
	s0 =	simm.s32 @p0 $0x1  }
0x13: {  	[smem:$0x3FB9] =	sst s0;
	s0 =	simm.s32 @!p1 $0x0  }
0x14: {  	s2 =	sld [smem:$0x3F9D];
	s0 =	simm.s32 @p1 $0x1  }
0x15: {  	[smem:$0x3FBA] =	sst s0;
	s0 =	simm.s32 @!p2 $0x0  }
0x16: {  	s3 =	sld [smem:$0x3FDB];
	s0 =	simm.s32 @p2 $0x1  }
0x17: {  	s4 =	simm.s32 $0x1BF5;
	[smem:$0x3FBC] =	sst s0  }
0x18: {  	s0 =	sld [smem:$0x3F9F];
	_ =	swait.ge [sflag:s4], $0x0  }
0x19: {  	s7 =	sld [smem:$0x3FA0]  }
0x1a: {  	s8 =	sadd.s32 $0xFFFFE003, lr  }
0x1b: {  	s9 =	sadd.s32 $0xFFFFFEF7, lr;
	s5 =	simm.s32 $0xFFFFFFFF;
	p2 =	slt.u32 s8, $0xFFFFF086  }
0x1c: {  	p1 =	slt.u32 s9, $0xF7A;
	s5 =	simm.s32 @!p2 $0x0  }
0x1d: {  	s5 =	simm.s32 @p1 $0x1;
	p0 =	seq.s32 s7, s2  }
0x1e: {  	s7 =	smul.u32 @!p0 $0xF7A, s2;
	p2 =	seq.s32 @!p0 s5, $0x0  }
0x1f: {  	s9 =	smul.u32 $0xF7A, s1;
	s8 =	simm.s32 @!p0 $0x1BF5;
	p2 =	por !p2, p0  }
0x20: {  	[sflag:s8] =	ssyncset.s32 @!p0 $0xFFFFF086;
	s6 =	sadd.s32 @!p0 s3, s7;
	s7 =	simm.s32 @!p0 $0x108  }
0x21: {  	s3 =	sadd.s32 s3, s9;
	s6 =	sadd.s32 @!p0 $0x88, s6;
	s7 =	simm.s32 @p2 $0x1082  }
0x22: {  	[simem:s7], [sflag:s8] =	dma.local @!p0 [hbm:s6], $0xF7A  }
0x23: {  	s9 =	sor.u32 $0xD0000000, s2;
	s6 =	simm.s32 $0x108;
	_ =	swait.ge @!p0 [sflag:s8], $0x0  }
0x24: {  	s3 =	sadd.s32 $0x88, s3;
	s6 =	simm.s32 @!p1 $0x1082;
	[sflag:s4] =	ssyncset.s32 $0xFFFFF086  }
0x25: {  	[simem:s6], [sflag:s4] =	dma.local [hbm:s3], $0xF7A  }
0x26: {  	[smem:$0x3FA0] =	sst s1;
	(tag) =	ssettag s2;
	_ =	strace s9  }
0x27: {  	s1 =	sld [smem:$0x3FB0]  }
0x28: {  	s2 =	sld [smem:$0x3FB1]  }
0x29: {  	s4 =	sld [smem:$0x3FB3]  }
0x2a: {  	p0 =	seq.s32 s5, $0x0;
	s5 =	sld [smem:$0x3FB4]  }
0x2b: {  	s6 =	sld [smem:$0x3FB5]  }
0x2c: {  	s7 =	sld [smem:$0x3FB6]  }
0x2d: {  	s3 =	simm.s32 $0x108;
	s8 =	sld [smem:$0x3FB7]  }
0x2e: {  	s3 =	simm.s32 @!p0 $0x1082;
	s9 =	sld [smem:$0x3FB8]  }
0x2f: {  	lr =	sadd.s32 s0, s3;
	s0 =	sld [smem:$0x3FAF]  }
0x30: {  	s3 =	sld [smem:$0x3FB2]  }
0x31: {  	[smem:$0x3FBB] =	sst s10  }
0x32: {  	s10 =	sld [smem:$0x3FB9];
	_ =	sdelay $0x3  }
0x33: {  	p0 =	seq.s32 s10, $0x1;
	s10 =	sld [smem:$0x3FBB];
	_ =	sdelay $0x3  }
0x34: {  	[smem:$0x3FBB] =	sst s10  }
0x35: {  	s10 =	sld [smem:$0x3FBA];
	_ =	sdelay $0x3  }
0x36: {  	p1 =	seq.s32 s10, $0x1;
	s10 =	sld [smem:$0x3FBB];
	_ =	sdelay $0x3  }
0x37: {  	[smem:$0x3FBB] =	sst s10  }
0x38: {  	s10 =	sld [smem:$0x3FBC]  }
0x39: {  	_ = 	snop;
	(pc) =	sbr.ind lr, $3  }
0x3a: {  	_ = 	snop  }
0x3b: {  	_ = 	snop  }
0x3c: {  	p2 =	seq.s32 s10, $0x1;
	s10 =	sld [smem:$0x3FBB]  }
0x3d: {  	_ =	shalt  }
0x3e: {  	_ =	shalt  }
0x3f: {  	_ =	shalt  }
0x40: {  	_ =	shalt  }
0x41: {  	_ =	shalt  }
0x42: {  	_ =	shalt  }
0x43: {  	_ =	shalt  }
0x44: {  	_ =	shalt  }
0x45: {  	_ =	shalt  }
0x46: {  	_ =	shalt  }
0x47: {  	_ =	shalt  }
0x48: {  	_ =	shalt  }
0x49: {  	_ =	shalt  }
0x4a: {  	_ =	shalt  }
0x4b: {  	_ =	shalt  }
0x4c: {  	_ =	shalt  }
0x4d: {  	_ =	shalt  }
0x4e: {  	_ =	shalt  }
0x4f: {  	_ =	shalt  }
0x50: {  	_ =	shalt  }
0x51: {  	_ =	shalt  }
0x52: {  	_ =	shalt  }
0x53: {  	_ =	shalt  }
0x54: {  	_ =	shalt  }
0x55: {  	_ =	shalt  }
0x56: {  	_ =	shalt  }
0x57: {  	_ =	shalt  }
0x58: {  	_ =	shalt  }
0x59: {  	_ =	shalt  }
0x5a: {  	_ =	shalt  }
0x5b: {  	_ =	shalt  }
0x5c: {  	_ =	shalt  }
0x5d: {  	_ =	shalt  }
0x5e: {  	_ =	shalt  }
0x5f: {  	_ =	shalt  }
0x60: {  	_ =	shalt  }
0x61: {  	_ =	shalt  }
0x62: {  	_ =	shalt  }
0x63: {  	_ =	shalt  }
0x64: {  	_ =	shalt  }
0x65: {  	_ =	shalt  }
0x66: {  	_ =	shalt  }
0x67: {  	_ =	shalt  }
0x68: {  	_ =	shalt  }
0x69: {  	_ =	shalt  }
0x6a: {  	_ =	shalt  }
0x6b: {  	_ =	shalt  }
0x6c: {  	_ =	shalt  }
0x6d: {  	_ =	shalt  }
0x6e: {  	_ =	shalt  }
0x6f: {  	_ =	shalt  }
0x70: {  	_ =	shalt  }
0x71: {  	_ =	shalt  }
0x72: {  	_ =	shalt  }
0x73: {  	_ =	shalt  }
0x74: {  	_ =	shalt  }
0x75: {  	_ =	shalt  }
0x76: {  	_ =	shalt  }
0x77: {  	_ =	shalt  }
0x78: {  	_ =	shalt  }
0x79: {  	_ =	shalt  }
0x7a: {  	_ =	shalt  }
0x7b: {  	_ =	shalt  }
0x7c: {  	_ =	shalt  }
0x7d: {  	_ =	shalt  }
0x7e: {  	_ =	shalt  }
0x7f: {  	_ =	shalt  }
0x80: {  	_ =	shalt  }
0x81: {  	_ =	shalt  }
0x82: {  	_ =	shalt  }
0x83: {  	_ =	shalt  }
0x84: {  	_ =	shalt  }
0x85: {  	_ =	shalt  }
0x86: {  	_ =	shalt  }
0x87: {  	_ =	shalt  }
.Lfunc_end0:
.L_simem_size_0:
called_computation_lowered:
.L_overlay_start_0:
0x88: {  	s2 =	sld [smem:$0x3FD9]  }
0x89: {  	s3 =	sld [smem:$0x3FFE];
	_ =	sdelay $0x1  }
0x8a: {  	s1 =	srdreg.scid  }
0x8b: {  	s0 =	sand.u32 $0x1, s1  }
0x8c: {  	s18 =	sshll.u32 s0, $0xA;
	s2 =	sadd.s32 s3, s2  }
0x8d: {  	s2 =	sadd.s32 s2, s18  }
0x8e: {  	[smem:$0x3FC7] =	sst s2  }
0x8f: {  	_ = 	snop  }
0x90: {  	s2 =	sld [smem:$0x3FC9]  }
0x91: {  	s19 =	sld [smem:$0x3FD0];
	(tm) =	ssettm $0x1  }
0x92: {  	s4 =	sld [smem:$0x3FFB];
	_ =	sdelay $0x3  }
0x93: {  	_ =	strace s4  }
0x94: {  	s4 =	sld [smem:$0x3FFC];
	_ =	sdelay $0x3  }
0x95: {  	_ =	strace s4  }
0x96: {  	s4 =	sld [smem:$0x3FFD];
	_ =	sdelay $0x3  }
0x97: {  	_ =	strace s4  }
0x98: {  	_ =	strace $0x8FFFFFFF  }
0x99: {  	s20 =	sld [smem:$0x3FDB];
	_ =	sdelay $0x1  }
0x9a: {  	s5 =	simm.s32 $_scs_section_size  }
0x9b: {  	s6 =	simm.s32 $_size__tile_overlayer_lowered;
	s7 =	simm.s32 $_tile_overlayer_lowered  }
0x9c: {  	s23 =	simm.s32 $0x1BFF;
	s22 =	sshll.u32 s7, $0x1;
	s4 =	sadd.s32 s5, s20  }
0x9d: {  	s8 =	simm.s32 $0x0;
	s21 =	sshll.u32 s6, $0x1;
	s6 =	sadd.s32 s22, s4  }
0x9e: {  	[timem:s8], [sflag:s23] =	dma.local [hbm:s6], s21  }
0x9f: {  	_ =	swait.ge [sflag:s23], s21  }
0xa0: {  	s5 =	ssub.s32 $0x0, s21;
	[sflag:s23] =	ssyncset.done $0x0  }
0xa1: {  	[sflag:s23] =	ssyncadd.s32 s5;
	_ =	sdelay $0x1  }
0xa2: {  	s24 =	simm.s32 $0x1B8B  }
0xa3: {  	_ =	swait.ge [sflag:s24], $0x1  }
0xa4: {  	[sflag:s24] =	ssyncset.done $0x0  }
0xa5: {  	s25 =	simm.s32 $0x1B8E;
	[sflag:s24] =	ssyncadd.s32 $0xFFFFFFFF  }
0xa6: {  	s26 =	simm.s32 $execute0_lowered;
	[smem:$0x3FD2] =	sst s25  }
0xa7: {  	s5 =	sshll.u32 s26, $0x1;
	_ =	strace $0x80000046;
	[dreg:$0x1] =	wrdreg $0xFFFFFFFF  }
0xa8: {  	s28 =	simm.s32 $_size_execute0_lowered;
	s4 =	sadd.s32 s4, s5;
	[dreg:$0x0] =	wrdreg $0x0  }
0xa9: {  	s5 =	sshll.u32 s28, $0x1;
	[dreg:$0x2] =	wrdreg s4  }
0xaa: {  	[dreg:$0x3] =	wrdreg s5  }
0xab: {  	[dreg:$0x4] =	wrdreg $0xC0  }
0xac: {  	_ =	task [dreg:s8], $0x5FFFF  }
0xad: {  	[dreg:$0x1] =	wrdreg $0xFFFFFFFF  }
0xae: {  	[dreg:$0x0] =	wrdreg $0x60  }
0xaf: {  	[dreg:$0x2] =	wrdreg s2  }
0xb0: {  	[dreg:$0x3] =	wrdreg s19  }
0xb1: {  	[dreg:$0x4] =	wrdreg $0x17000  }
0xb2: {  	[dreg:$0x5] =	wrdreg $0x9  }
0xb3: {  	_ =	task.clear_ibuf [dreg:s8], $0x6FFFF;
	_ =	strace $0x90000046  }
0xb4: {  	s29 =	simm.s32 $0x9;
	_ =	strace $0x80000048  }
0xb5: {  	_ =	swait.ge [sflag:s29], $0x1  }
0xb6: {  	[sflag:s29] =	ssyncadd.s32 $0xFFFFFFFF  }
0xb7: {  	_ =	strace $0x90000048  }
0xb8: {  	_ =	sfence  }
0xb9: {  	s30 =	sld [smem:$0x0];
	_ =	sdelay $0x2  }
0xba: {  	s31 =	sshll.u32 s1, $0xD;
	s1 =	sshrl.u32 s1, $0x2  }
0xbb: {  	s3 =	sand.u32 $0x4000, s31;
	s1 =	sadd.s32 s1, s30  }
0xbc: {  	s0 =	sor.u32 s3, s0;
	s1 =	sshll.u32 s1, $0x11  }
0xbd: {  	s0 =	sor.u32 s1, s0  }
0xbe: {  	s0 =	sadd.s32 $0x8F2B, s0  }
0xbf: {  	[sflag:s0] =	ssyncadd.remote.s32 $0x1  }
0xc0: {  	_ =	sfence.sel $0xFFFF  }
0xc1: {  	[dreg:$0x0] =	wrdreg $0xFFFFFFFF;
	(pc) =	sbr.abs _section_cstart, $3  }
0xc2: {  	[dreg:$0x1] =	wrdreg $0xFFFFFFFF  }
0xc3: {  	_ =	task.clear_ibuf [dreg:s8], $0x2FFFF;
	_ =	strace $0x9FFFFFFF  }
0xc4: {  	(tm) =	ssettm $0x7FFFFFFF  }
0xc5: {  	_ =	shalt  }
tec
execute0_lowered:
.L_overlay_start_1:
0x0: {  	(tag) =	ssettag $0x1  }
0x1: {  	s5 =	rddreg [dreg:$0x0]  }
0x2: {  	s6 =	rddreg [dreg:$0x1]  }
0x3: {  	s1 =	rddreg [dreg:$0x2]  }
0x4: {  	s0 =	rddreg [dreg:$0x3];
	s3 =	simm.s32 $0x0;
	s4 =	srdreg.scid  }
0x5: {  	s2 =	stileid.u32;
	s14 =	simm.s32 $0x20;
	s15 =	simm.s32 $0x10  }
0x6: {  	s16 =	simm.s32 $0x0;
	[smem:$0x7FF] =	sst s3;
	s8 =	smul.u32 $0xA00, s2  }
0x7: {  	s4 =	sand.u32 $0x1, s4;
	s7 =	sshll.u32 s2, $0x1;
	s10 =	smul.u32 $0x500, s2  }
0x8: {  	s12 =	sshll.u32 s2, $0x6;
	_ =	strace $0x80000047;
	s9 =	ssub.s32 $0x2, s4  }
0x9: {  	s7 =	sor.u32 s4, s7;
	s4 =	sshll.u32 s4, $0x7;
	s12 =	sor.u32 $0x1C01, s12  }
0xa: {  	s11 =	sshrl.u32 s9, $0x1;
	s7 =	smul.u32 $0x280, s7;
	s8 =	sshrl.u32 s8, $0x2  }
0xb: {  	s10 =	sor.u32 s4, s10;
	s9 =	ssub.s32 s9, s11;
	s4 =	sadd.s32 s8, s1  }
0xc: {  	s31 =	sshrl.u32 s10, $0x3;
	s8 =	simm.s32 $0x1480;
	s10 =	simm.s32 $0x80  }
0xd: {  	s11 =	simm.s32 $0x1400;
	s5 =	sadd.s32 s5, s7;
	s6 =	sadd.s32 s6, s31  }
0xe: {  	v0 =	vimm.f32 $0.0e+00;
	v1 =	vimm.f32 $1.000000000e+00;
	s7 =	smax.u32 s9, $0x1;
	s9 =	simm.s32 $0x1;
	s13 =	sshrl.u32 s4, $0x3  }
.LBB2_1:
0xf: {  	[tilespmem:$0x1480] =	vst v0  }
0x10: {  	[tilespmem:$0x1490] =	vst v0  }
0x11: {  	[tilespmem:$0x14A0] =	vst v0  }
0x12: {  	[tilespmem:$0x14B0] =	vst v0  }
0x13: {  	[tilespmem:$0x14C0] =	vst v0  }
0x14: {  	[tilespmem:$0x14D0] =	vst v0  }
0x15: {  	[tilespmem:$0x14E0] =	vst v0  }
0x16: {  	[tilespmem:$0x14F0] =	vst v0  }
0x17: {  	[tilespmem:$0x1500] =	vst v0  }
0x18: {  	[tilespmem:$0x1510] =	vst v0  }
0x19: {  	[tilespmem:$0x1520] =	vst v0  }
0x1a: {  	[tilespmem:$0x1530] =	vst v0  }
0x1b: {  	[tilespmem:$0x1540] =	vst v0  }
0x1c: {  	[tilespmem:$0x1550] =	vst v0  }
0x1d: {  	[tilespmem:$0x1560] =	vst v0  }
0x1e: {  	[tilespmem:$0x1570] =	vst v0  }
0x1f: {  	[tilespmem:$0x1580] =	vst v0  }
0x20: {  	[tilespmem:$0x1590] =	vst v0  }
0x21: {  	[tilespmem:$0x15A0] =	vst v0  }
0x22: {  	[tilespmem:$0x15B0] =	vst v0  }
0x23: {  	[tilespmem:$0x15C0] =	vst v0  }
0x24: {  	[tilespmem:$0x15D0] =	vst v0  }
0x25: {  	[tilespmem:$0x15E0] =	vst v0  }
0x26: {  	[tilespmem:$0x15F0] =	vst v0  }
0x27: {  	[tilespmem:$0x1600] =	vst v0  }
0x28: {  	[tilespmem:$0x1610] =	vst v0  }
0x29: {  	[tilespmem:$0x1620] =	vst v0  }
0x2a: {  	[tilespmem:$0x1630] =	vst v0  }
0x2b: {  	[tilespmem:$0x1640] =	vst v0  }
0x2c: {  	[tilespmem:$0x1650] =	vst v0  }
0x2d: {  	[tilespmem:$0x1660] =	vst v0  }
0x2e: {  	[tilespmem:$0x1670] =	vst v0  }
0x2f: {  	[tilespmem:$0x1680] =	vst v0  }
0x30: {  	[tilespmem:$0x1690] =	vst v0  }
0x31: {  	[tilespmem:$0x16A0] =	vst v0  }
0x32: {  	[tilespmem:$0x16B0] =	vst v0  }
0x33: {  	[tilespmem:$0x16C0] =	vst v0  }
0x34: {  	[tilespmem:$0x16D0] =	vst v0  }
0x35: {  	[tilespmem:$0x16E0] =	vst v0  }
0x36: {  	[tilespmem:$0x16F0] =	vst v0  }
0x37: {  	[tilespmem:$0x1400] =	vst v1  }
0x38: {  	[tilespmem:$0x1410] =	vst v1  }
0x39: {  	[tilespmem:$0x1420] =	vst v1  }
0x3a: {  	[tilespmem:$0x1430] =	vst v1  }
0x3b: {  	[tilespmem:$0x1440] =	vst v1  }
0x3c: {  	[tilespmem:$0x1450] =	vst v1  }
0x3d: {  	[tilespmem:$0x1460] =	vst v1  }
0x3e: {  	[tilespmem:$0x1470] =	vst v1  }
0x3f: {  	[spmem:s4] =	stream.linear.scatter [tilespmem:s8], [sflag:$0x1], $0x280, $0x38;
	[tilespmem:$0x1980] =	vst v63  }
0x40: {  	_ =	swait.ge [sflag:s9], $0x280  }
0x41: {  	[sflag:s9] =	ssyncset.done $0x0  }
0x42: {  	[sflag:s9] =	ssyncadd.s32 $0xFFFFFD80  }
0x43: {  	[tilespmem:s3], [sflag:$0x1] =	stream.linear.gather [hbm4b:s5+s3], $0x1400, $0x38;
	[tilespmem:$0x1980] =	vst v63  }
0x44: {  	_ =	swait.ge [sflag:s9], $0x1400  }
0x45: {  	[sflag:s9] =	ssyncset.done $0x0  }
0x46: {  	[sflag:s9] =	ssyncadd.s32 $0xFFFFEC00  }
0x47: {  	s17 =	simm.s32 $0x0;
	[bflag:$0x0] =	sbarrier.arrive $0xFFFF  }
0x48: {  	[spmem:s1] =	stream.indirect.scatter.add.f32 [tilespmem:s11], [sflag:$0x1], $0x1, s17, s10, $0xb8;
	[tilespmem:$0x1980] =	vst v63  }
0x49: {  	_ =	swait.ge [sflag:s9], $0x80  }
0x4a: {  	s17 =	simm.s32 $0x200;
	[sflag:s9] =	ssyncset.done $0x0  }
.LBB2_2:
0x4b: {  	s18 =	sshra.s32 s17, $0x2;
	[sflag:s9] =	ssyncadd.s32 $0xFFFFFF80;
	p0 =	sne.s32 s17, $0x4E00  }
0x4c: {  	[spmem:s1] =	stream.indirect.scatter.add.f32 [tilespmem:s11], [sflag:$0x1], $0x1, s18, s10, $0xb8;
	[tilespmem:$0x1980] =	vst v63  }
.Ltmp0:
0x4d: {  	_ = 	snop;
	(pc) =	sbr.rel @p0 .LBB2_2-.Ltmp0, $4  }
0x4e: {  	_ = 	snop  }
0x4f: {  	s17 =	sadd.s32 $0x200, s17  }
0x50: {  	_ =	swait.ge [sflag:s9], $0x80  }
0x51: {  	[sflag:s9] =	ssyncset.done $0x0  }
0x52: {  	s16 =	sadd.s32 $0x1, s16  }
0x53: {  	[sflag:s9] =	ssyncadd.s32 $0xFFFFFF80;
	p0 =	sne.s32 s16, s7  }
.Ltmp1:
0x54: {  	[bflag:$0x0] =	sbarrier.arrive $0xFFFF;
	(pc) =	sbr.rel @p0 .LBB2_1-.Ltmp1, $4  }
0x55: {  	[hbm:s6@s14], [sflag:s12] =	dma.strided [spmem:s13@s15], $0x50, s9, $0x10   }
0x56: {  	_ =	swait.ge [sflag:s9], $0x50  }
0x57: {  	[sflag:s9] =	ssyncset.done $0x0  }
0x58: {  	[sflag:s9] =	ssyncadd.s32 $0xFFFFFFB0  }
0x59: {  	_ =	sfence.sel $0x180000  }
0x5a: {  	[bflag:$0x0] =	sbarrier.arrive $0xFFFF  }
0x5b: {  	p0 =	sne.s32 s2, $0x0;
	_ =	strace $0x90000047  }
0x5c: {  	s0 =	sadd.s32 @!p0 $0x100000, s0;
	[bflag:$0x2] =	sbarrier.arrive $0xFFFF  }
0x5d: {  	[sflag:s0] =	ssyncadd.tile.s32 @!p0 $0x1;
	_ =	shalt  }
.Lfunc_end2:
_tile_overlayer_lowered:
.L_overlay_start_2:
0x5e: {  	(tag) =	ssettag $0x2  }
0x5f: {  	s0 =	rddreg [dreg:$0x0];
	s2 =	stileid.u32  }
0x60: {  	s1 =	rddreg [dreg:$0x1];
	p0 =	sne.s32 s2, $0x0  }
0x61: {  	s3 =	rddreg [dreg:$0x2];
	[bflag:$0x3] =	sbarrier.arrive $0xFFFF;
	s2 =	simm.s32 @!p0 $0x1C01  }
0x62: {  	[timem:s3], [sflag:s2] =	dma.local @!p0 [hbm:s0], s1  }
0x63: {  	s0 =	simm.s32 @!p0 $0x1  }
0x64: {  	_ =	swait.ge @!p0 [sflag:s0], s1  }
0x65: {  	s1 =	ssub.s32 @!p0 $0x0, s1;
	[sflag:s0] =	ssyncset.done @!p0 $0x0  }
0x66: {  	[sflag:s0] =	ssyncadd.s32 @!p0 s1  }
0x67: {  	[bflag:$0x3] =	sbarrier.arrive $0xFFFF  }
0x68: {  	_ =	shalt  }

</sc_bundles>
